<compile_context>
chip_gen: v7x
topology: tpu7x:2x2x1
jax: 0.10.2.dev20260603
libtpu: 0.0.44.dev20260713+nightly
codegen_flags: <defaults>
</compile_context>

<pallas_src>
import functools

import jax
from jax import lax
import jax.numpy as jnp
from jax.experimental import pallas as pl
from jax.experimental import pallas as pl_tc
from jax.experimental.pallas import tpu as pltpu
from jax.experimental.pallas import tpu_sc as plsc

_K = 200
_NW = 32
_NBUF = 3
_M_SC = 116
_B_TC = 3840


def _sc_gather(idx2d, table):
    m = idx2d.shape[0]
    dim = table.shape[1]
    niter = (m + _NW - 1) // _NW
    mesh = plsc.VectorSubcoreMesh(core_axis_name="c", subcore_axis_name="s")

    scratch = (
        [pltpu.VMEM((_K,), jnp.int32) for _ in range(_NBUF)]
        + [pltpu.VMEM((_K, dim), table.dtype) for _ in range(_NBUF)]
        + [pltpu.SemaphoreType.DMA for _ in range(3 * _NBUF)]
    )

    @functools.partial(
        pl.kernel,
        out_type=jax.ShapeDtypeStruct((m, _K, dim), table.dtype),
        mesh=mesh,
        scratch_types=scratch,
    )
    def gather_kernel(table_hbm, idx_hbm, out_hbm, *sc):
        idx_v = sc[0:_NBUF]
        row_v = sc[_NBUF:2 * _NBUF]
        sem_i = sc[2 * _NBUF:3 * _NBUF]
        sem_g = sc[3 * _NBUF:4 * _NBUF]
        sem_w = sc[4 * _NBUF:5 * _NBUF]

        wid = lax.axis_index("s") * 2 + lax.axis_index("c")

        def chunk(t):
            return wid + t * _NW

        def start_idx(t, b):
            pltpu.async_copy(idx_hbm.at[chunk(t)], idx_v[b], sem_i[b])

        def wait_idx(b):
            pltpu.make_async_copy(idx_hbm.at[0], idx_v[b], sem_i[b]).wait()

        def start_g(b):
            pltpu.async_copy(table_hbm.at[idx_v[b]], row_v[b], sem_g[b])

        def wait_g(b):
            pltpu.make_async_copy(
                table_hbm.at[idx_v[b]], row_v[b], sem_g[b]
            ).wait()

        def start_w(t, b):
            pltpu.async_copy(row_v[b], out_hbm.at[chunk(t)], sem_w[b])

        def wait_w(b):
            pltpu.make_async_copy(row_v[b], out_hbm.at[0], sem_w[b]).wait()

        for t in range(min(_NBUF, niter)):
            if t == niter - 1:
                pl.when(chunk(t) < m)(lambda t=t: start_idx(t, t % _NBUF))
            else:
                start_idx(t, t % _NBUF)

        for t in range(niter):
            b = t % _NBUF
            if t >= _NBUF:
                wait_w(b)
            if t == niter - 1:
                def last_a(b=b, t=t):
                    wait_idx(b)
                    start_g(b)
                pl.when(chunk(t) < m)(last_a)
            else:
                wait_idx(b)
                start_g(b)
            if t >= 1:
                u = t - 1
                pb = u % _NBUF
                wait_g(pb)
                start_w(u, pb)
                if u + _NBUF < niter:
                    tn = u + _NBUF
                    if tn == niter - 1:
                        pl.when(chunk(tn) < m)(
                            lambda tn=tn, pb=pb: start_idx(tn, pb)
                        )
                    else:
                        start_idx(tn, pb)

        lb = (niter - 1) % _NBUF

        def last_b(lb=lb):
            wait_g(lb)
            start_w(niter - 1, lb)
            wait_w(lb)

        pl.when(chunk(niter - 1) < m)(last_b)
        for t in range(max(0, niter - _NBUF), niter - 1):
            wait_w(t % _NBUF)

    return gather_kernel(table, idx2d)


def _tc_onehot_body(idx_ref, tab_ref, out_ref):
    v, d = tab_ref.shape
    tab = tab_ref[...]
    th = tab.astype(jnp.bfloat16)
    tl = (tab - th.astype(jnp.float32)).astype(jnp.bfloat16)
    tab2 = jnp.concatenate([th, tl], axis=1)
    z = idx_ref[0, 0, :]
    oh = (
        z[:, None] == lax.broadcasted_iota(jnp.int32, (_B_TC, v), 1)
    ).astype(jnp.bfloat16)
    acc = jnp.dot(oh, tab2, preferred_element_type=jnp.float32)
    out_ref[...] = acc[:, :d] + acc[:, d:]


def kernel(atomic_numbers, table):
    n = atomic_numbers.shape[0]
    dim = table.shape[1]
    v = table.shape[0]
    n_sc = _M_SC * _K
    n_tc = n - n_sc
    nb_tc = n_tc // _B_TC

    sc_out = _sc_gather(
        atomic_numbers[n_tc:].reshape(_M_SC, _K), table
    ).reshape(n_sc, dim)

    idx3 = atomic_numbers[:n_tc].reshape(nb_tc, 1, _B_TC)
    tc_out = pl_tc.pallas_call(
        _tc_onehot_body,
        grid=(nb_tc,),
        in_specs=[
            pl.BlockSpec((1, 1, _B_TC), lambda i: (i, 0, 0)),
            pl.BlockSpec((v, dim), lambda i: (0, 0)),
        ],
        out_specs=pl.BlockSpec((_B_TC, dim), lambda i: (i, 0)),
        out_shape=jax.ShapeDtypeStruct((n, dim), jnp.float32),
    )(idx3, table)

    return lax.dynamic_update_slice(tc_out, sc_out, (n_tc, 0))

# --- scband reference (transcript-rebuilt; emitter-appended) ---
"""Pipeline reference for scband-atom-embedding-84327387890063 (READ-ONLY COPY).

The authoritative reference and input builder live on the scoring server;
editing this copy changes nothing except your own understanding.
"""

import jax, jax.numpy as jnp
import numpy as np

NUM_ELEMENTS = 100
EMBED_DIM = 128
N_ATOMS = 100000

def setup_inputs(seed: int = 0) -> dict:
    key = jax.random.key(seed)
    k_idx, k_tab = jax.random.split(key)
    atomic_numbers = jax.random.randint(k_idx, (N_ATOMS,), 0, NUM_ELEMENTS, dtype=jnp.int64 if jax.config.jax_enable_x64 else jnp.int32)
    table = jax.random.normal(k_tab, (NUM_ELEMENTS, EMBED_DIM), dtype=jnp.float32)
    return {"atomic_numbers": atomic_numbers, "table": table}

def reference(atomic_numbers, table):
    z = jnp.clip(atomic_numbers, 0, table.shape[0] - 1)
    return jnp.take(table, z, axis=0)

if __name__ == "__main__":
    import jax
    _d = setup_inputs()
    print(jax.jit(kernel)(*tuple(_d.values())))

</pallas_src>

<mosaic_0001>
#map = affine_map<(d0, d1) -> (0, 0)>
#map1 = affine_map<(d0, d1) -> (0, 0, 0)>
module attributes {stable_mosaic.version = 14 : i64} {
  func.func @gather_kernel(%arg0: i32, %arg1: i32, %arg2: memref<100x128xf32, #tpu.memory_space<hbm>>, %arg3: memref<116x200xi32, #tpu.memory_space<hbm>>, %arg4: memref<116x200x128xf32, #tpu.memory_space<hbm>>, %arg5: memref<200xi32, #tpu.memory_space<vmem>>, %arg6: memref<200xi32, #tpu.memory_space<vmem>>, %arg7: memref<200xi32, #tpu.memory_space<vmem>>, %arg8: memref<200x128xf32, #tpu.memory_space<vmem>>, %arg9: memref<200x128xf32, #tpu.memory_space<vmem>>, %arg10: memref<200x128xf32, #tpu.memory_space<vmem>>, %arg11: memref<!tpu.dma_semaphore, #tpu.memory_space<semaphore_mem>>, %arg12: memref<!tpu.dma_semaphore, #tpu.memory_space<semaphore_mem>>, %arg13: memref<!tpu.dma_semaphore, #tpu.memory_space<semaphore_mem>>, %arg14: memref<!tpu.dma_semaphore, #tpu.memory_space<semaphore_mem>>, %arg15: memref<!tpu.dma_semaphore, #tpu.memory_space<semaphore_mem>>, %arg16: memref<!tpu.dma_semaphore, #tpu.memory_space<semaphore_mem>>, %arg17: memref<!tpu.dma_semaphore, #tpu.memory_space<semaphore_mem>>, %arg18: memref<!tpu.dma_semaphore, #tpu.memory_space<semaphore_mem>>, %arg19: memref<!tpu.dma_semaphore, #tpu.memory_space<semaphore_mem>>) attributes {dimension_semantics = [#tpu.dimension_semantics<core_parallel>, #tpu.dimension_semantics<subcore_parallel>], iteration_bounds = array<i64: 2, 16>, scalar_prefetch = 0 : i64, scratch_operands = 15 : i64, tpu.core_type = #tpu.core_type<sc_vector_subcore>, window_params = [{transform_indices = #map}, {transform_indices = #map}, {transform_indices = #map1}]} {
    %mul3A = arith.constant 2 : i32
    %mul3A_0 = arith.muli %arg1, %mul3A : i32
    %add3A = arith.addi %mul3A_0, %arg0 : i32
    %add3A_1 = arith.constant 0 : i32
    %add3A_2 = arith.addi %add3A, %add3A_1 : i32
    %dma_start3A = arith.constant 0 : i32
    %dma_start3A_3 = tpu.memref_slice %arg3[%add3A_2, %dma_start3A] : memref<116x200xi32, #tpu.memory_space<hbm>> -> memref<1x200xi32, #tpu.memory_space<hbm>>
    %dma_start3A_4 = tpu.memref_squeeze %dma_start3A_3 : memref<1x200xi32, #tpu.memory_space<hbm>> -> memref<200xi32, #tpu.memory_space<hbm>>
    %dma_start3A_5 = arith.constant 0 : i32
    %dma_start3A_6 = tpu.memref_slice %arg3[%add3A_2, %dma_start3A_5] : memref<116x200xi32, #tpu.memory_space<hbm>> -> memref<1x200xi32, #tpu.memory_space<hbm>>
    %dma_start3A_7 = tpu.memref_squeeze %dma_start3A_6 : memref<1x200xi32, #tpu.memory_space<hbm>> -> memref<200xi32, #tpu.memory_space<hbm>>
    tpu.enqueue_dma source(%dma_start3A_7 : memref<200xi32, #tpu.memory_space<hbm>>) target(%arg5 : memref<200xi32, #tpu.memory_space<vmem>>) target_semaphore(%arg11 : memref<!tpu.dma_semaphore, #tpu.memory_space<semaphore_mem>>)
    %add3A_8 = arith.constant 32 : i32
    %add3A_9 = arith.addi %add3A, %add3A_8 : i32
    %dma_start3A_10 = arith.constant 0 : i32
    %dma_start3A_11 = tpu.memref_slice %arg3[%add3A_9, %dma_start3A_10] : memref<116x200xi32, #tpu.memory_space<hbm>> -> memref<1x200xi32, #tpu.memory_space<hbm>>
    %dma_start3A_12 = tpu.memref_squeeze %dma_start3A_11 : memref<1x200xi32, #tpu.memory_space<hbm>> -> memref<200xi32, #tpu.memory_space<hbm>>
    %dma_start3A_13 = arith.constant 0 : i32
    %dma_start3A_14 = tpu.memref_slice %arg3[%add3A_9, %dma_start3A_13] : memref<116x200xi32, #tpu.memory_space<hbm>> -> memref<1x200xi32, #tpu.memory_space<hbm>>
    %dma_start3A_15 = tpu.memref_squeeze %dma_start3A_14 : memref<1x200xi32, #tpu.memory_space<hbm>> -> memref<200xi32, #tpu.memory_space<hbm>>
    tpu.enqueue_dma source(%dma_start3A_15 : memref<200xi32, #tpu.memory_space<hbm>>) target(%arg6 : memref<200xi32, #tpu.memory_space<vmem>>) target_semaphore(%arg12 : memref<!tpu.dma_semaphore, #tpu.memory_space<semaphore_mem>>)
    %add3A_16 = arith.constant 64 : i32
    %add3A_17 = arith.addi %add3A, %add3A_16 : i32
    %dma_start3A_18 = arith.constant 0 : i32
    %dma_start3A_19 = tpu.memref_slice %arg3[%add3A_17, %dma_start3A_18] : memref<116x200xi32, #tpu.memory_space<hbm>> -> memref<1x200xi32, #tpu.memory_space<hbm>>
    %dma_start3A_20 = tpu.memref_squeeze %dma_start3A_19 : memref<1x200xi32, #tpu.memory_space<hbm>> -> memref<200xi32, #tpu.memory_space<hbm>>
    %dma_start3A_21 = arith.constant 0 : i32
    %dma_start3A_22 = tpu.memref_slice %arg3[%add3A_17, %dma_start3A_21] : memref<116x200xi32, #tpu.memory_space<hbm>> -> memref<1x200xi32, #tpu.memory_space<hbm>>
    %dma_start3A_23 = tpu.memref_squeeze %dma_start3A_22 : memref<1x200xi32, #tpu.memory_space<hbm>> -> memref<200xi32, #tpu.memory_space<hbm>>
    tpu.enqueue_dma source(%dma_start3A_23 : memref<200xi32, #tpu.memory_space<hbm>>) target(%arg7 : memref<200xi32, #tpu.memory_space<vmem>>) target_semaphore(%arg13 : memref<!tpu.dma_semaphore, #tpu.memory_space<semaphore_mem>>)
    %dma_wait3A = arith.constant 0 : i32
    %dma_wait3A_24 = arith.constant 0 : i32
    %dma_wait3A_25 = tpu.memref_slice %arg3[%dma_wait3A, %dma_wait3A_24] : memref<116x200xi32, #tpu.memory_space<hbm>> -> memref<1x200xi32, #tpu.memory_space<hbm>>
    %dma_wait3A_26 = tpu.memref_squeeze %dma_wait3A_25 : memref<1x200xi32, #tpu.memory_space<hbm>> -> memref<200xi32, #tpu.memory_space<hbm>>
    %dma_wait3A_27 = arith.constant 0 : i32
    %dma_wait3A_28 = tpu.memref_slice %arg3[%dma_wait3A, %dma_wait3A_27] : memref<116x200xi32, #tpu.memory_space<hbm>> -> memref<1x200xi32, #tpu.memory_space<hbm>>
    %dma_wait3A_29 = tpu.memref_squeeze %dma_wait3A_28 : memref<1x200xi32, #tpu.memory_space<hbm>> -> memref<200xi32, #tpu.memory_space<hbm>>
    tpu.wait_dma2 semaphore(%arg11 : memref<!tpu.dma_semaphore, #tpu.memory_space<semaphore_mem>>) src(%dma_wait3A_29 : memref<200xi32, #tpu.memory_space<hbm>>) dst(%arg5 : memref<200xi32, #tpu.memory_space<vmem>>)
    %dma_start3A_30 = arith.constant 0 : i32
    %dma_start3A_31 = arith.constant 0 : i32
    %dma_start3A_32 = tpu.memref_slice %arg2[%dma_start3A_30, %dma_start3A_31] : memref<100x128xf32, #tpu.memory_space<hbm>> -> memref<100x128xf32, #tpu.memory_space<hbm>>
    tpu.enqueue_indirect_dma source(%dma_start3A_32 : memref<100x128xf32, #tpu.memory_space<hbm>>) target(%arg8 : memref<200x128xf32, #tpu.memory_space<vmem>>) offsets(%arg5 : memref<200xi32, #tpu.memory_space<vmem>>) semaphore(%arg14 : memref<!tpu.dma_semaphore, #tpu.memory_space<semaphore_mem>>)
    %dma_wait3A_33 = arith.constant 0 : i32
    %dma_wait3A_34 = arith.constant 0 : i32
    %dma_wait3A_35 = tpu.memref_slice %arg3[%dma_wait3A_33, %dma_wait3A_34] : memref<116x200xi32, #tpu.memory_space<hbm>> -> memref<1x200xi32, #tpu.memory_space<hbm>>
    %dma_wait3A_36 = tpu.memref_squeeze %dma_wait3A_35 : memref<1x200xi32, #tpu.memory_space<hbm>> -> memref<200xi32, #tpu.memory_space<hbm>>
    %dma_wait3A_37 = arith.constant 0 : i32
    %dma_wait3A_38 = tpu.memref_slice %arg3[%dma_wait3A_33, %dma_wait3A_37] : memref<116x200xi32, #tpu.memory_space<hbm>> -> memref<1x200xi32, #tpu.memory_space<hbm>>
    %dma_wait3A_39 = tpu.memref_squeeze %dma_wait3A_38 : memref<1x200xi32, #tpu.memory_space<hbm>> -> memref<200xi32, #tpu.memory_space<hbm>>
    tpu.wait_dma2 semaphore(%arg12 : memref<!tpu.dma_semaphore, #tpu.memory_space<semaphore_mem>>) src(%dma_wait3A_39 : memref<200xi32, #tpu.memory_space<hbm>>) dst(%arg6 : memref<200xi32, #tpu.memory_space<vmem>>)
    %dma_start3A_40 = arith.constant 0 : i32
    %dma_start3A_41 = arith.constant 0 : i32
    %dma_start3A_42 = tpu.memref_slice %arg2[%dma_start3A_40, %dma_start3A_41] : memref<100x128xf32, #tpu.memory_space<hbm>> -> memref<100x128xf32, #tpu.memory_space<hbm>>
    tpu.enqueue_indirect_dma source(%dma_start3A_42 : memref<100x128xf32, #tpu.memory_space<hbm>>) target(%arg9 : memref<200x128xf32, #tpu.memory_space<vmem>>) offsets(%arg6 : memref<200xi32, #tpu.memory_space<vmem>>) semaphore(%arg15 : memref<!tpu.dma_semaphore, #tpu.memory_space<semaphore_mem>>)
    %dma_wait3A_43 = arith.constant 0 : i32
    %dma_wait3A_44 = arith.constant 0 : i32
    %dma_wait3A_45 = tpu.memref_slice %arg2[%dma_wait3A_43, %dma_wait3A_44] : memref<100x128xf32, #tpu.memory_space<hbm>> -> memref<100x128xf32, #tpu.memory_space<hbm>>
    tpu.wait_indirect_dma semaphore(%arg14 : memref<!tpu.dma_semaphore, #tpu.memory_space<semaphore_mem>>) src(%dma_wait3A_45 : memref<100x128xf32, #tpu.memory_space<hbm>>) dst(%arg8 : memref<200x128xf32, #tpu.memory_space<vmem>>)
    %add3A_46 = arith.constant 0 : i32
    %add3A_47 = arith.addi %add3A, %add3A_46 : i32
    %dma_start3A_48 = arith.constant 0 : i32
    %dma_start3A_49 = arith.constant 0 : i32
    %dma_start3A_50 = tpu.memref_slice %arg4[%add3A_47, %dma_start3A_48, %dma_start3A_49] : memref<116x200x128xf32, #tpu.memory_space<hbm>> -> memref<1x200x128xf32, #tpu.memory_space<hbm>>
    %dma_start3A_51 = tpu.memref_squeeze %dma_start3A_50 : memref<1x200x128xf32, #tpu.memory_space<hbm>> -> memref<200x128xf32, #tpu.memory_space<hbm>>
    %dma_start3A_52 = arith.constant 0 : i32
    %dma_start3A_53 = arith.constant 0 : i32
    %dma_start3A_54 = tpu.memref_slice %arg4[%add3A_47, %dma_start3A_52, %dma_start3A_53] : memref<116x200x128xf32, #tpu.memory_space<hbm>> -> memref<1x200x128xf32, #tpu.memory_space<hbm>>
    %dma_start3A_55 = tpu.memref_squeeze %dma_start3A_54 : memref<1x200x128xf32, #tpu.memory_space<hbm>> -> memref<200x128xf32, #tpu.memory_space<hbm>>
    tpu.enqueue_dma source(%arg8 : memref<200x128xf32, #tpu.memory_space<vmem>>) target(%dma_start3A_55 : memref<200x128xf32, #tpu.memory_space<hbm>>) target_semaphore(%arg17 : memref<!tpu.dma_semaphore, #tpu.memory_space<semaphore_mem>>)
    %add3A_56 = arith.constant 96 : i32
    %add3A_57 = arith.addi %add3A, %add3A_56 : i32
    %lt3A = arith.constant 116 : i32
    %lt3A_58 = arith.cmpi slt, %add3A_57, %lt3A : i32
    %convert_element_type3A = arith.extui %lt3A_58 : i1 to i32
    %cond3A = arith.constant 0 : i32
    %cond3A_59 = arith.cmpi ne, %convert_element_type3A, %cond3A : i32
    scf.if %cond3A_59 {
      %add3A_137 = arith.constant 96 : i32
      %add3A_138 = arith.addi %add3A, %add3A_137 : i32
      %dma_start3A_139 = arith.constant 0 : i32
      %dma_start3A_140 = tpu.memref_slice %arg3[%add3A_138, %dma_start3A_139] : memref<116x200xi32, #tpu.memory_space<hbm>> -> memref<1x200xi32, #tpu.memory_space<hbm>>
      %dma_start3A_141 = tpu.memref_squeeze %dma_start3A_140 : memref<1x200xi32, #tpu.memory_space<hbm>> -> memref<200xi32, #tpu.memory_space<hbm>>
      %dma_start3A_142 = arith.constant 0 : i32
      %dma_start3A_143 = tpu.memref_slice %arg3[%add3A_138, %dma_start3A_142] : memref<116x200xi32, #tpu.memory_space<hbm>> -> memref<1x200xi32, #tpu.memory_space<hbm>>
      %dma_start3A_144 = tpu.memref_squeeze %dma_start3A_143 : memref<1x200xi32, #tpu.memory_space<hbm>> -> memref<200xi32, #tpu.memory_space<hbm>>
      tpu.enqueue_dma source(%dma_start3A_144 : memref<200xi32, #tpu.memory_space<hbm>>) target(%arg5 : memref<200xi32, #tpu.memory_space<vmem>>) target_semaphore(%arg11 : memref<!tpu.dma_semaphore, #tpu.memory_space<semaphore_mem>>)
    } else {
    }
    %dma_wait3A_60 = arith.constant 0 : i32
    %dma_wait3A_61 = arith.constant 0 : i32
    %dma_wait3A_62 = tpu.memref_slice %arg3[%dma_wait3A_60, %dma_wait3A_61] : memref<116x200xi32, #tpu.memory_space<hbm>> -> memref<1x200xi32, #tpu.memory_space<hbm>>
    %dma_wait3A_63 = tpu.memref_squeeze %dma_wait3A_62 : memref<1x200xi32, #tpu.memory_space<hbm>> -> memref<200xi32, #tpu.memory_space<hbm>>
    %dma_wait3A_64 = arith.constant 0 : i32
    %dma_wait3A_65 = tpu.memref_slice %arg3[%dma_wait3A_60, %dma_wait3A_64] : memref<116x200xi32, #tpu.memory_space<hbm>> -> memref<1x200xi32, #tpu.memory_space<hbm>>
    %dma_wait3A_66 = tpu.memref_squeeze %dma_wait3A_65 : memref<1x200xi32, #tpu.memory_space<hbm>> -> memref<200xi32, #tpu.memory_space<hbm>>
    tpu.wait_dma2 semaphore(%arg13 : memref<!tpu.dma_semaphore, #tpu.memory_space<semaphore_mem>>) src(%dma_wait3A_66 : memref<200xi32, #tpu.memory_space<hbm>>) dst(%arg7 : memref<200xi32, #tpu.memory_space<vmem>>)
    %dma_start3A_67 = arith.constant 0 : i32
    %dma_start3A_68 = arith.constant 0 : i32
    %dma_start3A_69 = tpu.memref_slice %arg2[%dma_start3A_67, %dma_start3A_68] : memref<100x128xf32, #tpu.memory_space<hbm>> -> memref<100x128xf32, #tpu.memory_space<hbm>>
    tpu.enqueue_indirect_dma source(%dma_start3A_69 : memref<100x128xf32, #tpu.memory_space<hbm>>) target(%arg10 : memref<200x128xf32, #tpu.memory_space<vmem>>) offsets(%arg7 : memref<200xi32, #tpu.memory_space<vmem>>) semaphore(%arg16 : memref<!tpu.dma_semaphore, #tpu.memory_space<semaphore_mem>>)
    %dma_wait3A_70 = arith.constant 0 : i32
    %dma_wait3A_71 = arith.constant 0 : i32
    %dma_wait3A_72 = tpu.memref_slice %arg2[%dma_wait3A_70, %dma_wait3A_71] : memref<100x128xf32, #tpu.memory_space<hbm>> -> memref<100x128xf32, #tpu.memory_space<hbm>>
    tpu.wait_indirect_dma semaphore(%arg15 : memref<!tpu.dma_semaphore, #tpu.memory_space<semaphore_mem>>) src(%dma_wait3A_72 : memref<100x128xf32, #tpu.memory_space<hbm>>) dst(%arg9 : memref<200x128xf32, #tpu.memory_space<vmem>>)
    %add3A_73 = arith.constant 32 : i32
    %add3A_74 = arith.addi %add3A, %add3A_73 : i32
    %dma_start3A_75 = arith.constant 0 : i32
    %dma_start3A_76 = arith.constant 0 : i32
    %dma_start3A_77 = tpu.memref_slice %arg4[%add3A_74, %dma_start3A_75, %dma_start3A_76] : memref<116x200x128xf32, #tpu.memory_space<hbm>> -> memref<1x200x128xf32, #tpu.memory_space<hbm>>
    %dma_start3A_78 = tpu.memref_squeeze %dma_start3A_77 : memref<1x200x128xf32, #tpu.memory_space<hbm>> -> memref<200x128xf32, #tpu.memory_space<hbm>>
    %dma_start3A_79 = arith.constant 0 : i32
    %dma_start3A_80 = arith.constant 0 : i32
    %dma_start3A_81 = tpu.memref_slice %arg4[%add3A_74, %dma_start3A_79, %dma_start3A_80] : memref<116x200x128xf32, #tpu.memory_space<hbm>> -> memref<1x200x128xf32, #tpu.memory_space<hbm>>
    %dma_start3A_82 = tpu.memref_squeeze %dma_start3A_81 : memref<1x200x128xf32, #tpu.memory_space<hbm>> -> memref<200x128xf32, #tpu.memory_space<hbm>>
    tpu.enqueue_dma source(%arg9 : memref<200x128xf32, #tpu.memory_space<vmem>>) target(%dma_start3A_82 : memref<200x128xf32, #tpu.memory_space<hbm>>) target_semaphore(%arg18 : memref<!tpu.dma_semaphore, #tpu.memory_space<semaphore_mem>>)
    %dma_wait3A_83 = arith.constant 0 : i32
    %dma_wait3A_84 = arith.constant 0 : i32
    %dma_wait3A_85 = arith.constant 0 : i32
    %dma_wait3A_86 = tpu.memref_slice %arg4[%dma_wait3A_83, %dma_wait3A_84, %dma_wait3A_85] : memref<116x200x128xf32, #tpu.memory_space<hbm>> -> memref<1x200x128xf32, #tpu.memory_space<hbm>>
    %dma_wait3A_87 = tpu.memref_squeeze %dma_wait3A_86 : memref<1x200x128xf32, #tpu.memory_space<hbm>> -> memref<200x128xf32, #tpu.memory_space<hbm>>
    %dma_wait3A_88 = arith.constant 0 : i32
    %dma_wait3A_89 = arith.constant 0 : i32
    %dma_wait3A_90 = tpu.memref_slice %arg4[%dma_wait3A_83, %dma_wait3A_88, %dma_wait3A_89] : memref<116x200x128xf32, #tpu.memory_space<hbm>> -> memref<1x200x128xf32, #tpu.memory_space<hbm>>
    %dma_wait3A_91 = tpu.memref_squeeze %dma_wait3A_90 : memref<1x200x128xf32, #tpu.memory_space<hbm>> -> memref<200x128xf32, #tpu.memory_space<hbm>>
    tpu.wait_dma2 semaphore(%arg17 : memref<!tpu.dma_semaphore, #tpu.memory_space<semaphore_mem>>) src(%arg8 : memref<200x128xf32, #tpu.memory_space<vmem>>) dst(%dma_wait3A_91 : memref<200x128xf32, #tpu.memory_space<hbm>>)
    %add3A_92 = arith.constant 96 : i32
    %add3A_93 = arith.addi %add3A, %add3A_92 : i32
    %lt3A_94 = arith.constant 116 : i32
    %lt3A_95 = arith.cmpi slt, %add3A_93, %lt3A_94 : i32
    %convert_element_type3A_96 = arith.extui %lt3A_95 : i1 to i32
    %cond3A_97 = arith.constant 0 : i32
    %cond3A_98 = arith.cmpi ne, %convert_element_type3A_96, %cond3A_97 : i32
    scf.if %cond3A_98 {
      %dma_wait3A_137 = arith.constant 0 : i32
      %dma_wait3A_138 = arith.constant 0 : i32
      %dma_wait3A_139 = tpu.memref_slice %arg3[%dma_wait3A_137, %dma_wait3A_138] : memref<116x200xi32, #tpu.memory_space<hbm>> -> memref<1x200xi32, #tpu.memory_space<hbm>>
      %dma_wait3A_140 = tpu.memref_squeeze %dma_wait3A_139 : memref<1x200xi32, #tpu.memory_space<hbm>> -> memref<200xi32, #tpu.memory_space<hbm>>
      %dma_wait3A_141 = arith.constant 0 : i32
      %dma_wait3A_142 = tpu.memref_slice %arg3[%dma_wait3A_137, %dma_wait3A_141] : memref<116x200xi32, #tpu.memory_space<hbm>> -> memref<1x200xi32, #tpu.memory_space<hbm>>
      %dma_wait3A_143 = tpu.memref_squeeze %dma_wait3A_142 : memref<1x200xi32, #tpu.memory_space<hbm>> -> memref<200xi32, #tpu.memory_space<hbm>>
      tpu.wait_dma2 semaphore(%arg11 : memref<!tpu.dma_semaphore, #tpu.memory_space<semaphore_mem>>) src(%dma_wait3A_143 : memref<200xi32, #tpu.memory_space<hbm>>) dst(%arg5 : memref<200xi32, #tpu.memory_space<vmem>>)
      %dma_start3A_144 = arith.constant 0 : i32
      %dma_start3A_145 = arith.constant 0 : i32
      %dma_start3A_146 = tpu.memref_slice %arg2[%dma_start3A_144, %dma_start3A_145] : memref<100x128xf32, #tpu.memory_space<hbm>> -> memref<100x128xf32, #tpu.memory_space<hbm>>
      tpu.enqueue_indirect_dma source(%dma_start3A_146 : memref<100x128xf32, #tpu.memory_space<hbm>>) target(%arg8 : memref<200x128xf32, #tpu.memory_space<vmem>>) offsets(%arg5 : memref<200xi32, #tpu.memory_space<vmem>>) semaphore(%arg14 : memref<!tpu.dma_semaphore, #tpu.memory_space<semaphore_mem>>)
    } else {
    }
    %dma_wait3A_99 = arith.constant 0 : i32
    %dma_wait3A_100 = arith.constant 0 : i32
    %dma_wait3A_101 = tpu.memref_slice %arg2[%dma_wait3A_99, %dma_wait3A_100] : memref<100x128xf32, #tpu.memory_space<hbm>> -> memref<100x128xf32, #tpu.memory_space<hbm>>
    tpu.wait_indirect_dma semaphore(%arg16 : memref<!tpu.dma_semaphore, #tpu.memory_space<semaphore_mem>>) src(%dma_wait3A_101 : memref<100x128xf32, #tpu.memory_space<hbm>>) dst(%arg10 : memref<200x128xf32, #tpu.memory_space<vmem>>)
    %add3A_102 = arith.constant 64 : i32
    %add3A_103 = arith.addi %add3A, %add3A_102 : i32
    %dma_start3A_104 = arith.constant 0 : i32
    %dma_start3A_105 = arith.constant 0 : i32
    %dma_start3A_106 = tpu.memref_slice %arg4[%add3A_103, %dma_start3A_104, %dma_start3A_105] : memref<116x200x128xf32, #tpu.memory_space<hbm>> -> memref<1x200x128xf32, #tpu.memory_space<hbm>>
    %dma_start3A_107 = tpu.memref_squeeze %dma_start3A_106 : memref<1x200x128xf32, #tpu.memory_space<hbm>> -> memref<200x128xf32, #tpu.memory_space<hbm>>
    %dma_start3A_108 = arith.constant 0 : i32
    %dma_start3A_109 = arith.constant 0 : i32
    %dma_start3A_110 = tpu.memref_slice %arg4[%add3A_103, %dma_start3A_108, %dma_start3A_109] : memref<116x200x128xf32, #tpu.memory_space<hbm>> -> memref<1x200x128xf32, #tpu.memory_space<hbm>>
    %dma_start3A_111 = tpu.memref_squeeze %dma_start3A_110 : memref<1x200x128xf32, #tpu.memory_space<hbm>> -> memref<200x128xf32, #tpu.memory_space<hbm>>
    tpu.enqueue_dma source(%arg10 : memref<200x128xf32, #tpu.memory_space<vmem>>) target(%dma_start3A_111 : memref<200x128xf32, #tpu.memory_space<hbm>>) target_semaphore(%arg19 : memref<!tpu.dma_semaphore, #tpu.memory_space<semaphore_mem>>)
    %add3A_112 = arith.constant 96 : i32
    %add3A_113 = arith.addi %add3A, %add3A_112 : i32
    %lt3A_114 = arith.constant 116 : i32
    %lt3A_115 = arith.cmpi slt, %add3A_113, %lt3A_114 : i32
    %convert_element_type3A_116 = arith.extui %lt3A_115 : i1 to i32
    %cond3A_117 = arith.constant 0 : i32
    %cond3A_118 = arith.cmpi ne, %convert_element_type3A_116, %cond3A_117 : i32
    scf.if %cond3A_118 {
      %dma_wait3A_137 = arith.constant 0 : i32
      %dma_wait3A_138 = arith.constant 0 : i32
      %dma_wait3A_139 = tpu.memref_slice %arg2[%dma_wait3A_137, %dma_wait3A_138] : memref<100x128xf32, #tpu.memory_space<hbm>> -> memref<100x128xf32, #tpu.memory_space<hbm>>
      tpu.wait_indirect_dma semaphore(%arg14 : memref<!tpu.dma_semaphore, #tpu.memory_space<semaphore_mem>>) src(%dma_wait3A_139 : memref<100x128xf32, #tpu.memory_space<hbm>>) dst(%arg8 : memref<200x128xf32, #tpu.memory_space<vmem>>)
      %add3A_140 = arith.constant 96 : i32
      %add3A_141 = arith.addi %add3A, %add3A_140 : i32
      %dma_start3A_142 = arith.constant 0 : i32
      %dma_start3A_143 = arith.constant 0 : i32
      %dma_start3A_144 = tpu.memref_slice %arg4[%add3A_141, %dma_start3A_142, %dma_start3A_143] : memref<116x200x128xf32, #tpu.memory_space<hbm>> -> memref<1x200x128xf32, #tpu.memory_space<hbm>>
      %dma_start3A_145 = tpu.memref_squeeze %dma_start3A_144 : memref<1x200x128xf32, #tpu.memory_space<hbm>> -> memref<200x128xf32, #tpu.memory_space<hbm>>
      %dma_start3A_146 = arith.constant 0 : i32
      %dma_start3A_147 = arith.constant 0 : i32
      %dma_start3A_148 = tpu.memref_slice %arg4[%add3A_141, %dma_start3A_146, %dma_start3A_147] : memref<116x200x128xf32, #tpu.memory_space<hbm>> -> memref<1x200x128xf32, #tpu.memory_space<hbm>>
      %dma_start3A_149 = tpu.memref_squeeze %dma_start3A_148 : memref<1x200x128xf32, #tpu.memory_space<hbm>> -> memref<200x128xf32, #tpu.memory_space<hbm>>
      tpu.enqueue_dma source(%arg8 : memref<200x128xf32, #tpu.memory_space<vmem>>) target(%dma_start3A_149 : memref<200x128xf32, #tpu.memory_space<hbm>>) target_semaphore(%arg17 : memref<!tpu.dma_semaphore, #tpu.memory_space<semaphore_mem>>)
      %dma_wait3A_150 = arith.constant 0 : i32
      %dma_wait3A_151 = arith.constant 0 : i32
      %dma_wait3A_152 = arith.constant 0 : i32
      %dma_wait3A_153 = tpu.memref_slice %arg4[%dma_wait3A_150, %dma_wait3A_151, %dma_wait3A_152] : memref<116x200x128xf32, #tpu.memory_space<hbm>> -> memref<1x200x128xf32, #tpu.memory_space<hbm>>
      %dma_wait3A_154 = tpu.memref_squeeze %dma_wait3A_153 : memref<1x200x128xf32, #tpu.memory_space<hbm>> -> memref<200x128xf32, #tpu.memory_space<hbm>>
      %dma_wait3A_155 = arith.constant 0 : i32
      %dma_wait3A_156 = arith.constant 0 : i32
      %dma_wait3A_157 = tpu.memref_slice %arg4[%dma_wait3A_150, %dma_wait3A_155, %dma_wait3A_156] : memref<116x200x128xf32, #tpu.memory_space<hbm>> -> memref<1x200x128xf32, #tpu.memory_space<hbm>>
      %dma_wait3A_158 = tpu.memref_squeeze %dma_wait3A_157 : memref<1x200x128xf32, #tpu.memory_space<hbm>> -> memref<200x128xf32, #tpu.memory_space<hbm>>
      tpu.wait_dma2 semaphore(%arg17 : memref<!tpu.dma_semaphore, #tpu.memory_space<semaphore_mem>>) src(%arg8 : memref<200x128xf32, #tpu.memory_space<vmem>>) dst(%dma_wait3A_158 : memref<200x128xf32, #tpu.memory_space<hbm>>)
    } else {
    }
    %dma_wait3A_119 = arith.constant 0 : i32
    %dma_wait3A_120 = arith.constant 0 : i32
    %dma_wait3A_121 = arith.constant 0 : i32
    %dma_wait3A_122 = tpu.memref_slice %arg4[%dma_wait3A_119, %dma_wait3A_120, %dma_wait3A_121] : memref<116x200x128xf32, #tpu.memory_space<hbm>> -> memref<1x200x128xf32, #tpu.memory_space<hbm>>
    %dma_wait3A_123 = tpu.memref_squeeze %dma_wait3A_122 : memref<1x200x128xf32, #tpu.memory_space<hbm>> -> memref<200x128xf32, #tpu.memory_space<hbm>>
    %dma_wait3A_124 = arith.constant 0 : i32
    %dma_wait3A_125 = arith.constant 0 : i32
    %dma_wait3A_126 = tpu.memref_slice %arg4[%dma_wait3A_119, %dma_wait3A_124, %dma_wait3A_125] : memref<116x200x128xf32, #tpu.memory_space<hbm>> -> memref<1x200x128xf32, #tpu.memory_space<hbm>>
    %dma_wait3A_127 = tpu.memref_squeeze %dma_wait3A_126 : memref<1x200x128xf32, #tpu.memory_space<hbm>> -> memref<200x128xf32, #tpu.memory_space<hbm>>
    tpu.wait_dma2 semaphore(%arg18 : memref<!tpu.dma_semaphore, #tpu.memory_space<semaphore_mem>>) src(%arg9 : memref<200x128xf32, #tpu.memory_space<vmem>>) dst(%dma_wait3A_127 : memref<200x128xf32, #tpu.memory_space<hbm>>)
    %dma_wait3A_128 = arith.constant 0 : i32
    %dma_wait3A_129 = arith.constant 0 : i32
    %dma_wait3A_130 = arith.constant 0 : i32
    %dma_wait3A_131 = tpu.memref_slice %arg4[%dma_wait3A_128, %dma_wait3A_129, %dma_wait3A_130] : memref<116x200x128xf32, #tpu.memory_space<hbm>> -> memref<1x200x128xf32, #tpu.memory_space<hbm>>
    %dma_wait3A_132 = tpu.memref_squeeze %dma_wait3A_131 : memref<1x200x128xf32, #tpu.memory_space<hbm>> -> memref<200x128xf32, #tpu.memory_space<hbm>>
    %dma_wait3A_133 = arith.constant 0 : i32
    %dma_wait3A_134 = arith.constant 0 : i32
    %dma_wait3A_135 = tpu.memref_slice %arg4[%dma_wait3A_128, %dma_wait3A_133, %dma_wait3A_134] : memref<116x200x128xf32, #tpu.memory_space<hbm>> -> memref<1x200x128xf32, #tpu.memory_space<hbm>>
    %dma_wait3A_136 = tpu.memref_squeeze %dma_wait3A_135 : memref<1x200x128xf32, #tpu.memory_space<hbm>> -> memref<200x128xf32, #tpu.memory_space<hbm>>
    tpu.wait_dma2 semaphore(%arg19 : memref<!tpu.dma_semaphore, #tpu.memory_space<semaphore_mem>>) src(%arg10 : memref<200x128xf32, #tpu.memory_space<vmem>>) dst(%dma_wait3A_136 : memref<200x128xf32, #tpu.memory_space<hbm>>)
    return
  }
}

module attributes {stable_mosaic.version = 14 : i64} {
  func.func @_tc_onehot_body(%arg0: i32, %arg1: memref<1x1x3840xi32, #tpu.memory_space<vmem>>, %arg2: memref<100x128xf32, #tpu.memory_space<vmem>>, %arg3: memref<3840x128xf32, #tpu.memory_space<vmem>>) attributes {dimension_semantics = [#tpu.dimension_semantics<arbitrary>], iteration_bounds = array<i64: 20>, scalar_prefetch = 0 : i64, scratch_operands = 0 : i64, tpu.core_type = #tpu.core_type<tc>, window_params = [{transform_indices = @transform_0, window_bounds = array<i64: 1, 1, 3840>}, {pipeline_mode = #tpu.pipeline_mode<synchronous>, transform_indices = @transform_1, window_bounds = array<i64: 100, 128>}, {transform_indices = @transform_2, window_bounds = array<i64: 3840, 128>}]} {
    %get3A = arith.constant 0 : index
    %get3A_0 = arith.constant 0 : index
    %get3A_1 = vector.load %arg2[%get3A, %get3A_0] : memref<100x128xf32, #tpu.memory_space<vmem>>, vector<100x128xf32>
    %convert_element_type3A = arith.truncf %get3A_1 : vector<100x128xf32> to vector<100x128xbf16>
    %convert_element_type3A_2 = arith.extf %convert_element_type3A : vector<100x128xbf16> to vector<100x128xf32>
    %sub3A = arith.subf %get3A_1, %convert_element_type3A_2 : vector<100x128xf32>
    %convert_element_type3A_3 = arith.truncf %sub3A : vector<100x128xf32> to vector<100x128xbf16>
    %concatenate3A = tpu.concatenate %convert_element_type3A, %convert_element_type3A_3 in 1 : vector<100x128xbf16>, vector<100x128xbf16> -> vector<100x256xbf16>
    %get3A_4 = arith.constant 0 : index
    %get3A_5 = arith.constant 0 : index
    %get3A_6 = arith.constant 0 : index
    %get3A_7 = vector.load %arg1[%get3A_4, %get3A_5, %get3A_6] : memref<1x1x3840xi32, #tpu.memory_space<vmem>>, vector<1x1x3840xi32>
    %get3A_8 = vector.shape_cast %get3A_7 : vector<1x1x3840xi32> to vector<3840xi32>
    %broadcast_in_dim3A = vector.shape_cast %get3A_8 : vector<3840xi32> to vector<3840x1xi32>
    %iota3A = tpu.iota {dimensions = array<i32: 1>} : vector<3840x100xi32>
    %eq3A = vector.broadcast %broadcast_in_dim3A : vector<3840x1xi32> to vector<3840x100xi32>
    %eq3A_9 = arith.cmpi eq, %eq3A, %iota3A : vector<3840x100xi32>
    %convert_element_type3A_10 = arith.extui %eq3A_9 : vector<3840x100xi1> to vector<3840x100xi32>
    %convert_element_type3A_11 = arith.sitofp %convert_element_type3A_10 : vector<3840x100xi32> to vector<3840x100xf32>
    %convert_element_type3A_12 = arith.truncf %convert_element_type3A_11 : vector<3840x100xf32> to vector<3840x100xbf16>
    %dot_general3A = arith.constant dense<0.000000e+00> : vector<3840x256xf32>
    %dot_general3A_13 = tpu.matmul %convert_element_type3A_12, %concatenate3A, %dot_general3A {dimension_numbers = #tpu.dot_dimension_numbers<[1], [0], [0], [1], [0, 0, 1, 1], [], []>, transpose_lhs_hint = false} : vector<3840x100xbf16>, vector<100x256xbf16>, vector<3840x256xf32> -> vector<3840x256xf32>
    %slice3A = vector.extract_strided_slice %dot_general3A_13 {offsets = [0, 0], sizes = [3840, 128], strides = [1, 1]} : vector<3840x256xf32> to vector<3840x128xf32>
    %slice3A_14 = vector.extract_strided_slice %dot_general3A_13 {offsets = [0, 128], sizes = [3840, 128], strides = [1, 1]} : vector<3840x256xf32> to vector<3840x128xf32>
    %add3A = arith.addf %slice3A, %slice3A_14 : vector<3840x128xf32>
    %swap3A = arith.constant 0 : index
    %swap3A_15 = arith.constant 0 : index
    %swap3A_16 = vector.load %arg3[%swap3A, %swap3A_15] : memref<3840x128xf32, #tpu.memory_space<vmem>>, vector<3840x128xf32>
    tpu.vector_store %arg3[%swap3A, %swap3A_15], %add3A {strides = array<i32>} : memref<3840x128xf32, #tpu.memory_space<vmem>>, vector<3840x128xf32>,
    return
  }
  func.func @transform_0(%arg0: i32) -> (i32, i32, i32) {
    %c0_i32 = arith.constant 0 : i32
    %c0_i32_0 = arith.constant 0 : i32
    %c0_i32_1 = arith.constant 0 : i32
    return %arg0, %c0_i32, %c0_i32_0 : i32, i32, i32
  }
  func.func @transform_1(%arg0: i32) -> (i32, i32) {
    %c0_i32 = arith.constant 0 : i32
    %c0_i32_0 = arith.constant 0 : i32
    %c0_i32_1 = arith.constant 0 : i32
    return %c0_i32, %c0_i32_0 : i32, i32
  }
  func.func @transform_2(%arg0: i32) -> (i32, i32) {
    %c0_i32 = arith.constant 0 : i32
    %c0_i32_0 = arith.constant 0 : i32
    return %arg0, %c0_i32 : i32, i32
  }
}

</mosaic_0001>

<sc_bundles>
// kernel: kernel.4.cloned.1.call-start
scs
__scs_entry_jumppad:
0x0: {  	(pc) =	sbr.rel $0x88, $3  }
0x1: {  	(tag) =	ssettag $0x0;
	lr =	simm.s32 $0x1  }
0x2: {  	[smem:$0x3F9F] =	sst lr;
	_ =	strace $0xD0000000  }
0x3: {  	_ = 	snop  }
0x4: {  	_ = 	snop  }
0x5: {  	_ = 	snop  }
0x6: {  	_ = 	snop  }
0x7: {  	_ = 	snop  }
__scs_overlays_trampoline_lowered:
0x8: {  	[smem:$0x3FAE] =	sst s0  }
0x9: {  	[smem:$0x3FAF] =	sst s1  }
0xa: {  	[smem:$0x3FB0] =	sst s2  }
0xb: {  	[smem:$0x3FB1] =	sst s3  }
0xc: {  	[smem:$0x3FB2] =	sst s4  }
0xd: {  	[smem:$0x3FB3] =	sst s5  }
0xe: {  	[smem:$0x3FB4] =	sst s6  }
0xf: {  	[smem:$0x3FB5] =	sst s7  }
0x10: {  	[smem:$0x3FB6] =	sst s8  }
0x11: {  	[smem:$0x3FB7] =	sst s9;
	s0 =	simm.s32 @!p0 $0x0  }
0x12: {  	s1 =	sld [smem:$0x3F9D];
	s0 =	simm.s32 @p0 $0x1  }
0x13: {  	[smem:$0x3FB8] =	sst s0;
	s0 =	simm.s32 @!p1 $0x0  }
0x14: {  	s2 =	sld [smem:$0x3F9C];
	s0 =	simm.s32 @p1 $0x1  }
0x15: {  	[smem:$0x3FB9] =	sst s0;
	s0 =	simm.s32 @!p2 $0x0  }
0x16: {  	s3 =	sld [smem:$0x3FDB];
	s0 =	simm.s32 @p2 $0x1  }
0x17: {  	s4 =	simm.s32 $0x1BF5;
	[smem:$0x3FBB] =	sst s0  }
0x18: {  	s0 =	sld [smem:$0x3F9E];
	_ =	swait.ge [sflag:s4], $0x0  }
0x19: {  	s7 =	sld [smem:$0x3F9F]  }
0x1a: {  	s8 =	sadd.s32 $0xFFFFE003, lr  }
0x1b: {  	s9 =	sadd.s32 $0xFFFFFEF7, lr;
	s5 =	simm.s32 $0xFFFFFFFF;
	p2 =	slt.u32 s8, $0xFFFFF086  }
0x1c: {  	p1 =	slt.u32 s9, $0xF7A;
	s5 =	simm.s32 @!p2 $0x0  }
0x1d: {  	s5 =	simm.s32 @p1 $0x1;
	p0 =	seq.s32 s7, s2  }
0x1e: {  	s7 =	smul.u32 @!p0 $0xF7A, s2;
	p2 =	seq.s32 @!p0 s5, $0x0  }
0x1f: {  	s9 =	smul.u32 $0xF7A, s1;
	s8 =	simm.s32 @!p0 $0x1BF5;
	p2 =	por !p2, p0  }
0x20: {  	[sflag:s8] =	ssyncset.s32 @!p0 $0xFFFFF086;
	s6 =	sadd.s32 @!p0 s3, s7;
	s7 =	simm.s32 @!p0 $0x108  }
0x21: {  	s3 =	sadd.s32 s3, s9;
	s6 =	sadd.s32 @!p0 $0x88, s6;
	s7 =	simm.s32 @p2 $0x1082  }
0x22: {  	[simem:s7], [sflag:s8] =	dma.local @!p0 [hbm:s6], $0xF7A  }
0x23: {  	s9 =	sor.u32 $0xD0000000, s2;
	s6 =	simm.s32 $0x108;
	_ =	swait.ge @!p0 [sflag:s8], $0x0  }
0x24: {  	s3 =	sadd.s32 $0x88, s3;
	s6 =	simm.s32 @!p1 $0x1082;
	[sflag:s4] =	ssyncset.s32 $0xFFFFF086  }
0x25: {  	[simem:s6], [sflag:s4] =	dma.local [hbm:s3], $0xF7A  }
0x26: {  	[smem:$0x3F9F] =	sst s1;
	(tag) =	ssettag s2;
	_ =	strace s9  }
0x27: {  	s1 =	sld [smem:$0x3FAF]  }
0x28: {  	s2 =	sld [smem:$0x3FB0]  }
0x29: {  	s4 =	sld [smem:$0x3FB2]  }
0x2a: {  	p0 =	seq.s32 s5, $0x0;
	s5 =	sld [smem:$0x3FB3]  }
0x2b: {  	s6 =	sld [smem:$0x3FB4]  }
0x2c: {  	s7 =	sld [smem:$0x3FB5]  }
0x2d: {  	s3 =	simm.s32 $0x108;
	s8 =	sld [smem:$0x3FB6]  }
0x2e: {  	s3 =	simm.s32 @!p0 $0x1082;
	s9 =	sld [smem:$0x3FB7]  }
0x2f: {  	lr =	sadd.s32 s0, s3;
	s0 =	sld [smem:$0x3FAE]  }
0x30: {  	s3 =	sld [smem:$0x3FB1]  }
0x31: {  	[smem:$0x3FBA] =	sst s10  }
0x32: {  	s10 =	sld [smem:$0x3FB8];
	_ =	sdelay $0x3  }
0x33: {  	p0 =	seq.s32 s10, $0x1;
	s10 =	sld [smem:$0x3FBA];
	_ =	sdelay $0x3  }
0x34: {  	[smem:$0x3FBA] =	sst s10  }
0x35: {  	s10 =	sld [smem:$0x3FB9];
	_ =	sdelay $0x3  }
0x36: {  	p1 =	seq.s32 s10, $0x1;
	s10 =	sld [smem:$0x3FBA];
	_ =	sdelay $0x3  }
0x37: {  	[smem:$0x3FBA] =	sst s10  }
0x38: {  	s10 =	sld [smem:$0x3FBB]  }
0x39: {  	_ = 	snop;
	(pc) =	sbr.ind lr, $3  }
0x3a: {  	_ = 	snop  }
0x3b: {  	_ = 	snop  }
0x3c: {  	p2 =	seq.s32 s10, $0x1;
	s10 =	sld [smem:$0x3FBA]  }
0x3d: {  	_ =	shalt  }
0x3e: {  	_ =	shalt  }
0x3f: {  	_ =	shalt  }
0x40: {  	_ =	shalt  }
0x41: {  	_ =	shalt  }
0x42: {  	_ =	shalt  }
0x43: {  	_ =	shalt  }
0x44: {  	_ =	shalt  }
0x45: {  	_ =	shalt  }
0x46: {  	_ =	shalt  }
0x47: {  	_ =	shalt  }
0x48: {  	_ =	shalt  }
0x49: {  	_ =	shalt  }
0x4a: {  	_ =	shalt  }
0x4b: {  	_ =	shalt  }
0x4c: {  	_ =	shalt  }
0x4d: {  	_ =	shalt  }
0x4e: {  	_ =	shalt  }
0x4f: {  	_ =	shalt  }
0x50: {  	_ =	shalt  }
0x51: {  	_ =	shalt  }
0x52: {  	_ =	shalt  }
0x53: {  	_ =	shalt  }
0x54: {  	_ =	shalt  }
0x55: {  	_ =	shalt  }
0x56: {  	_ =	shalt  }
0x57: {  	_ =	shalt  }
0x58: {  	_ =	shalt  }
0x59: {  	_ =	shalt  }
0x5a: {  	_ =	shalt  }
0x5b: {  	_ =	shalt  }
0x5c: {  	_ =	shalt  }
0x5d: {  	_ =	shalt  }
0x5e: {  	_ =	shalt  }
0x5f: {  	_ =	shalt  }
0x60: {  	_ =	shalt  }
0x61: {  	_ =	shalt  }
0x62: {  	_ =	shalt  }
0x63: {  	_ =	shalt  }
0x64: {  	_ =	shalt  }
0x65: {  	_ =	shalt  }
0x66: {  	_ =	shalt  }
0x67: {  	_ =	shalt  }
0x68: {  	_ =	shalt  }
0x69: {  	_ =	shalt  }
0x6a: {  	_ =	shalt  }
0x6b: {  	_ =	shalt  }
0x6c: {  	_ =	shalt  }
0x6d: {  	_ =	shalt  }
0x6e: {  	_ =	shalt  }
0x6f: {  	_ =	shalt  }
0x70: {  	_ =	shalt  }
0x71: {  	_ =	shalt  }
0x72: {  	_ =	shalt  }
0x73: {  	_ =	shalt  }
0x74: {  	_ =	shalt  }
0x75: {  	_ =	shalt  }
0x76: {  	_ =	shalt  }
0x77: {  	_ =	shalt  }
0x78: {  	_ =	shalt  }
0x79: {  	_ =	shalt  }
0x7a: {  	_ =	shalt  }
0x7b: {  	_ =	shalt  }
0x7c: {  	_ =	shalt  }
0x7d: {  	_ =	shalt  }
0x7e: {  	_ =	shalt  }
0x7f: {  	_ =	shalt  }
0x80: {  	_ =	shalt  }
0x81: {  	_ =	shalt  }
0x82: {  	_ =	shalt  }
0x83: {  	_ =	shalt  }
0x84: {  	_ =	shalt  }
0x85: {  	_ =	shalt  }
0x86: {  	_ =	shalt  }
0x87: {  	_ =	shalt  }
.Lfunc_end0:
.L_simem_size_0:
called_computation_lowered:
.L_overlay_start_0:
0x88: {  	s2 =	sld [smem:$0x3FD9]  }
0x89: {  	s3 =	sld [smem:$0x3FFE];
	_ =	sdelay $0x1  }
0x8a: {  	s1 =	srdreg.scid  }
0x8b: {  	s0 =	sand.u32 $0x1, s1  }
0x8c: {  	s17 =	sshll.u32 s0, $0xA;
	s2 =	sadd.s32 s3, s2  }
0x8d: {  	s2 =	sadd.s32 s2, s17  }
0x8e: {  	[smem:$0x3FC6] =	sst s2  }
0x8f: {  	_ = 	snop  }
0x90: {  	s2 =	sld [smem:$0x3FC8];
	(tm) =	ssettm $0x1  }
0x91: {  	s18 =	sld [smem:$0x3FFB];
	_ =	sdelay $0x3  }
0x92: {  	_ =	strace s18  }
0x93: {  	s3 =	sld [smem:$0x3FFC];
	_ =	sdelay $0x3  }
0x94: {  	_ =	strace s3  }
0x95: {  	s3 =	sld [smem:$0x3FFD];
	_ =	sdelay $0x3  }
0x96: {  	_ =	strace s3  }
0x97: {  	_ =	strace $0x8FFFFFFF  }
0x98: {  	s19 =	sld [smem:$0x3FDB];
	_ =	sdelay $0x1  }
0x99: {  	s4 =	simm.s32 $_scs_section_size  }
0x9a: {  	s5 =	simm.s32 $_size__tile_overlayer_lowered;
	s6 =	simm.s32 $_tile_overlayer_lowered  }
0x9b: {  	s22 =	simm.s32 $0x1BFF;
	s21 =	sshll.u32 s6, $0x1;
	s3 =	sadd.s32 s4, s19  }
0x9c: {  	s7 =	simm.s32 $0x0;
	s20 =	sshll.u32 s5, $0x1;
	s5 =	sadd.s32 s21, s3  }
0x9d: {  	[timem:s7], [sflag:s22] =	dma.local [hbm:s5], s20  }
0x9e: {  	_ =	swait.ge [sflag:s22], s20  }
0x9f: {  	s4 =	ssub.s32 $0x0, s20;
	[sflag:s22] =	ssyncset.done $0x0  }
0xa0: {  	[sflag:s22] =	ssyncadd.s32 s4;
	_ =	sdelay $0x1  }
0xa1: {  	s23 =	simm.s32 $0x1B8B  }
0xa2: {  	_ =	swait.ge [sflag:s23], $0x1  }
0xa3: {  	[sflag:s23] =	ssyncset.done $0x0  }
0xa4: {  	s25 =	simm.s32 $0x1B8E;
	s24 =	sld [smem:$0x3FFE];
	[sflag:s23] =	ssyncadd.s32 $0xFFFFFFFF  }
0xa5: {  	s26 =	simm.s32 $execute0_lowered;
	[smem:$0x3FD2] =	sst s25  }
0xa6: {  	s5 =	sshll.u32 s26, $0x1;
	_ =	strace $0x80000046;
	[dreg:$0x1] =	wrdreg $0xFFFFFFFF  }
0xa7: {  	s28 =	simm.s32 $_size_execute0_lowered;
	s3 =	sadd.s32 s3, s5;
	[dreg:$0x0] =	wrdreg $0x0  }
0xa8: {  	s5 =	sshll.u32 s28, $0x1;
	[dreg:$0x2] =	wrdreg s3  }
0xa9: {  	[dreg:$0x3] =	wrdreg s5  }
0xaa: {  	[dreg:$0x4] =	wrdreg $0xC0  }
0xab: {  	_ =	task [dreg:s7], $0x5FFFF  }
0xac: {  	[dreg:$0x1] =	wrdreg $0xFFFFFFFF  }
0xad: {  	[dreg:$0x0] =	wrdreg $0x60  }
0xae: {  	[dreg:$0x2] =	wrdreg s2  }
0xaf: {  	[dreg:$0x3] =	wrdreg s24  }
0xb0: {  	[dreg:$0x4] =	wrdreg $0x9  }
0xb1: {  	_ =	task.clear_ibuf [dreg:s7], $0x5FFFF;
	_ =	strace $0x90000046  }
0xb2: {  	s29 =	simm.s32 $0x9;
	_ =	strace $0x80000048  }
0xb3: {  	_ =	swait.ge [sflag:s29], $0x1  }
0xb4: {  	[sflag:s29] =	ssyncadd.s32 $0xFFFFFFFF  }
0xb5: {  	_ =	strace $0x90000048  }
0xb6: {  	_ =	sfence  }
0xb7: {  	s30 =	sld [smem:$0x0];
	_ =	sdelay $0x2  }
0xb8: {  	s31 =	sshll.u32 s1, $0xD;
	s1 =	sshrl.u32 s1, $0x2  }
0xb9: {  	s3 =	sand.u32 $0x4000, s31;
	s1 =	sadd.s32 s1, s30  }
0xba: {  	s0 =	sor.u32 s3, s0;
	s1 =	sshll.u32 s1, $0x11  }
0xbb: {  	s0 =	sor.u32 s1, s0  }
0xbc: {  	s0 =	sadd.s32 $0x8F2B, s0  }
0xbd: {  	[sflag:s0] =	ssyncadd.remote.s32 $0x1  }
0xbe: {  	_ =	sfence.sel $0xFFFF  }
0xbf: {  	[dreg:$0x0] =	wrdreg $0xFFFFFFFF;
	(pc) =	sbr.abs _section_cstart, $3  }
0xc0: {  	[dreg:$0x1] =	wrdreg $0xFFFFFFFF  }
0xc1: {  	_ =	task.clear_ibuf [dreg:s7], $0x2FFFF;
	_ =	strace $0x9FFFFFFF  }
0xc2: {  	(tm) =	ssettm $0x7FFFFFFF  }
0xc3: {  	_ =	shalt  }
tec
execute0_lowered:
.L_overlay_start_1:
0x0: {  	(tag) =	ssettag $0x1  }
0x1: {  	s2 =	rddreg [dreg:$0x0]  }
0x2: {  	s0 =	rddreg [dreg:$0x1]  }
0x3: {  	s22 =	rddreg [dreg:$0x2];
	s3 =	simm.s32 $0x0;
	s1 =	srdreg.scid  }
0x4: {  	s23 =	stileid.u32;
	s14 =	simm.s32 $0x100;
	s13 =	simm.s32 $0x300  }
0x5: {  	s15 =	simm.s32 $0x4;
	s31 =	simm.s32 $0xCB00;
	p1 =	por $0x0, $0x0  }
0x6: {  	[smem:$0x7FF] =	sst s3;
	s1 =	sand.u32 $0x1, s1;
	s4 =	sshll.u32 s23, $0x1  }
0x7: {  	s5 =	sadd.s32 $0x600, s0;
	s0 =	sadd.s32 $0x1600, s0;
	s6 =	sshll.u32 s23, $0x9  }
0x8: {  	p0 =	sgt.u32 s23, $0x9;
	_ =	strace $0x80000047;
	s4 =	sor.u32 s1, s4  }
0x9: {  	s1 =	ssub.s32 $0x2, s1;
	s6 =	sand.u32 $0x1800, s6;
	[dreg:$0xa] =	wrdreg s31  }
0xa: {  	s7 =	sshll.u32 s4, $0x7;
	s8 =	sor.u32 $0x20, s4;
	s9 =	sshrl.u32 s1, $0x1  }
0xb: {  	s11 =	sor.u32 $0x40, s4;
	s18 =	sor.u32 $0x60, s4;
	s4 =	smul.u32 $0xC80, s4  }
0xc: {  	s7 =	sand.u32 $0x380, s7;
	s10 =	sshll.u32 s8, $0x8;
	s24 =	smul.u32 $0xC80, s8  }
0xd: {  	s12 =	sshll.u32 s11, $0x8;
	s20 =	sshll.u32 s18, $0x8;
	s25 =	smul.u32 $0xC80, s11  }
0xe: {  	s28 =	smul.u32 $0xC80, s18;
	s1 =	ssub.s32 s1, s9;
	s18 =	simm.s32 $0x400  }
0xf: {  	s9 =	simm.s32 $0xC8;
	s8 =	simm.s32 $0x6700;
	s11 =	simm.s32 $0x5  }
0x10: {  	s6 =	sor.u32 s6, s7;
	s10 =	sand.u32 $0x3800, s10;
	s17 =	sand.u32 $0x5800, s12  }
0x11: {  	s4 =	sadd.s32 s0, s4;
	s30 =	smax.u32 s1, $0x1;
	s12 =	simm.s32 $0x3  }
0x12: {  	s6 =	sshrl.u32 s6, $0x3;
	s10 =	sor.u32 s7, s10;
	[dreg:$0x6] =	wrdreg s4  }
0x13: {  	s29 =	sadd.s32 s0, s24;
	s4 =	sadd.s32 s0, s25;
	s0 =	sadd.s32 s0, s28  }
0x14: {  	s6 =	sadd.s32 s5, s6;
	s16 =	sshrl.u32 s10, $0x3;
	[dreg:$0x8] =	wrdreg s29  }
0x15: {  	s10 =	sor.u32 s7, s17;
	[dreg:$0x9] =	wrdreg s0;
	s17 =	simm.s32 $0x2  }
0x16: {  	s19 =	sshrl.u32 s10, $0x3;
	s10 =	sand.u32 $0x7800, s20;
	s20 =	sadd.s32 $0xFFFFFFFF, s30  }
0x17: {  	[dreg:$0x3] =	wrdreg s6;
	s6 =	sadd.s32 s5, s16;
	p2 =	sne.s32 s20, $0x0  }
.Ltmp0:
0x18: {  	s16 =	simm.s32 $0x80;
	[dreg:$0x4] =	wrdreg s6;
	(pc) =	sbr.rel @!p2 .LBB2_5-.Ltmp0, $4  }
0x19: {  	s6 =	sadd.s32 s5, s19;
	s21 =	sor.u32 s7, s10;
	s7 =	simm.s32 $0x200  }
0x1a: {  	s19 =	simm.s32 $0x1;
	[dreg:$0x5] =	wrdreg s6;
	s6 =	sshrl.u32 s21, $0x3  }
0x1b: {  	s10 =	simm.s32 $0x7;
	s21 =	rddreg [dreg:$0x3];
	s26 =	sadd.s32 s5, s6  }
0x1c: {  	s6 =	simm.s32 $0x8;
	s5 =	simm.s32 $0x9;
	[dreg:$0x7] =	wrdreg s26  }
0x1d: {  	[tilespmem:s3], [sflag:$0x1] =	stream.strided.gather [hbm4b:s21+s16], $0x100, s18, s16, $0x38;
	[tilespmem:$0x12F00] =	vst v63  }
0x1e: {  	s0 =	rddreg [dreg:$0x4]  }
0x1f: {  	[tilespmem:s14], [sflag:$0x2] =	stream.strided.gather [hbm4b:s0+s16], $0x100, s18, s16, $0x38;
	[tilespmem:$0x12F00] =	vst v63  }
0x20: {  	s1 =	rddreg [dreg:$0x5]  }
0x21: {  	[tilespmem:s7], [sflag:$0x3] =	stream.strided.gather [hbm4b:s1+s16], $0x100, s18, s16, $0x38;
	[tilespmem:$0x12F00] =	vst v63  }
0x22: {  	_ =	swait.ge [sflag:s19], $0x100  }
0x23: {  	[sflag:s19] =	ssyncset.done $0x0  }
0x24: {  	[sflag:s19] =	ssyncadd.s32 $0xFFFFFF00  }
0x25: {  	[tilespmem:s13], [sflag:$0x4] =	stream.indirect.gather [hbm4b:s2+s9], $0x80, s3, s9, $0xb8;
	[tilespmem:$0x12F00] =	vst v63  }
0x26: {  	_ =	swait.ge [sflag:s17], $0x100  }
0x27: {  	[sflag:s17] =	ssyncset.done $0x0  }
0x28: {  	[sflag:s17] =	ssyncadd.s32 $0xFFFFFF00  }
0x29: {  	[tilespmem:s8], [sflag:$0x5] =	stream.indirect.gather [hbm4b:s2+s9], $0x80, s14, s9, $0xb8;
	[tilespmem:$0x12F00] =	vst v63  }
0x2a: {  	_ =	swait.ge [sflag:s15], $0x6400  }
0x2b: {  	[sflag:s15] =	ssyncset.done $0x0  }
0x2c: {  	s21 =	simm.s32 @!p0 $0x400;
	s24 =	rddreg [dreg:$0x6];
	[sflag:s15] =	ssyncadd.s32 $0xFFFF9C00  }
0x2d: {  	[hbm4b:s24+s3] =	stream.linear.scatter [tilespmem:s13], [sflag:$0x7], $0x6400, $0x38;
	[tilespmem:$0x12F00] =	vst v63  }
0x2e: {  	s22 =	simm.s32 @!p0 $0x0;
	s0 =	simm.s32 @!p0 $0x80;
	s1 =	rddreg [dreg:$0x7]  }
0x2f: {  	[tilespmem:s22], [sflag:$0x1] =	stream.strided.gather @!p0 [hbm4b:s1+s0], $0x100, s21, s0, $0x38;
	[tilespmem:$0x12F00] =	vst v63  }
0x30: {  	_ =	swait.ge [sflag:s12], $0x100  }
0x31: {  	[sflag:s12] =	ssyncset.done $0x0  }
0x32: {  	s25 =	rddreg [dreg:$0xa];
	[sflag:s12] =	ssyncadd.s32 $0xFFFFFF00  }
0x33: {  	[tilespmem:s25], [sflag:$0x6] =	stream.indirect.gather [hbm4b:s2+s9], $0x80, s7, s9, $0xb8;
	[tilespmem:$0x12F00] =	vst v63  }
0x34: {  	_ =	swait.ge [sflag:s11], $0x6400  }
0x35: {  	[sflag:s11] =	ssyncset.done $0x0  }
0x36: {  	s26 =	rddreg [dreg:$0x8];
	[sflag:s11] =	ssyncadd.s32 $0xFFFF9C00  }
0x37: {  	[hbm4b:s26+s3] =	stream.linear.scatter [tilespmem:s8], [sflag:$0x8], $0x6400, $0x38;
	[tilespmem:$0x12F00] =	vst v63  }
0x38: {  	_ =	swait.ge [sflag:s10], $0x6400  }
0x39: {  	[sflag:s10] =	ssyncset.done $0x0  }
0x3a: {  	s23 =	simm.s32 @p0 $0x6;
	[sflag:s10] =	ssyncadd.s32 $0xFFFF9C00  }
0x3b: {  	_ =	swait.ge @p0 [sflag:s23], $0x6400  }
0x3c: {  	s24 =	simm.s32 @!p0 $0x1;
	[sflag:s23] =	ssyncset.done @p0 $0x0  }
0x3d: {  	s0 =	simm.s32 @p0 $0x0;
	s1 =	simm.s32 @p0 $0xCB00;
	[sflag:s23] =	ssyncadd.s32 @p0 $0xFFFF9C00  }
0x3e: {  	[hbm4b:s4+s0] =	stream.linear.scatter @p0 [tilespmem:s1], [sflag:$0x9], $0x6400, $0x38;
	[tilespmem:$0x12F00] =	vst v63  }
0x3f: {  	_ =	swait.ge @!p0 [sflag:s24], $0x100  }
0x40: {  	s28 =	simm.s32 @!p0 $0x6;
	[sflag:s24] =	ssyncset.done @!p0 $0x0  }
0x41: {  	s29 =	simm.s32 @!p0 $0xC8;
	s30 =	simm.s32 @!p0 $0x300;
	[sflag:s24] =	ssyncadd.s32 @!p0 $0xFFFFFF00  }
0x42: {  	[tilespmem:s30], [sflag:$0x4] =	stream.indirect.gather @!p0 [hbm4b:s2+s29], $0x80, s22, s29, $0xb8;
	[tilespmem:$0x12F00] =	vst v63  }
0x43: {  	_ =	swait.ge @!p0 [sflag:s28], $0x6400  }
0x44: {  	[sflag:s28] =	ssyncset.done @!p0 $0x0  }
0x45: {  	s31 =	simm.s32 @!p0 $0xCB00;
	s0 =	simm.s32 @!p0 $0x4;
	[sflag:s28] =	ssyncadd.s32 @!p0 $0xFFFF9C00  }
0x46: {  	[hbm4b:s4+s22] =	stream.linear.scatter @!p0 [tilespmem:s31], [sflag:$0x9], $0x6400, $0x38;
	[tilespmem:$0x12F00] =	vst v63  }
0x47: {  	_ =	swait.ge @!p0 [sflag:s0], $0x6400  }
0x48: {  	[sflag:s0] =	ssyncset.done @!p0 $0x0  }
0x49: {  	s1 =	simm.s32 @!p0 $0x7;
	s21 =	rddreg [dreg:$0x9];
	[sflag:s0] =	ssyncadd.s32 @!p0 $0xFFFF9C00  }
0x4a: {  	[hbm4b:s21+s22] =	stream.linear.scatter @!p0 [tilespmem:s30], [sflag:$0x7], $0x6400, $0x38;
	[tilespmem:$0x12F00] =	vst v63  }
0x4b: {  	_ =	swait.ge @!p0 [sflag:s1], $0x6400  }
0x4c: {  	s20 =	sadd.s32 $0xFFFFFFFF, s20;
	[sflag:s1] =	ssyncset.done @!p0 $0x0  }
0x4d: {  	p2 =	sne.s32 s20, $0x0;
	[sflag:s1] =	ssyncadd.s32 @!p0 $0xFFFF9C00  }
.Ltmp1:
0x4e: {  	_ =	swait.ge [sflag:s6], $0x6400;
	(pc) =	sbr.rel @!p2 .LBB2_2-.Ltmp1, $4  }
0x4f: {  	[sflag:s6] =	ssyncset.done $0x0  }
0x50: {  	[sflag:s6] =	ssyncadd.s32 $0xFFFF9C00  }
0x51: {  	_ =	swait.ge [sflag:s5], $0x6400  }
0x52: {  	p1 =	por $0x1, $0x1;
	s21 =	rddreg [dreg:$0x3];
	[sflag:s5] =	ssyncset.done $0x0  }
.LBB2_3:
0x53: {  	[sflag:s5] =	ssyncadd.s32 $0xFFFF9C00  }
0x54: {  	[tilespmem:s3], [sflag:$0x1] =	stream.strided.gather [hbm4b:s21+s16], $0x100, s18, s16, $0x38;
	[tilespmem:$0x12F00] =	vst v63  }
0x55: {  	s25 =	rddreg [dreg:$0x4]  }
0x56: {  	[tilespmem:s14], [sflag:$0x2] =	stream.strided.gather [hbm4b:s25+s16], $0x100, s18, s16, $0x38;
	[tilespmem:$0x12F00] =	vst v63  }
0x57: {  	s26 =	rddreg [dreg:$0x5]  }
0x58: {  	[tilespmem:s7], [sflag:$0x3] =	stream.strided.gather [hbm4b:s26+s16], $0x100, s18, s16, $0x38;
	[tilespmem:$0x12F00] =	vst v63  }
0x59: {  	_ =	swait.ge [sflag:s19], $0x100  }
0x5a: {  	[sflag:s19] =	ssyncset.done $0x0  }
0x5b: {  	[sflag:s19] =	ssyncadd.s32 $0xFFFFFF00  }
0x5c: {  	[tilespmem:s13], [sflag:$0x4] =	stream.indirect.gather [hbm4b:s2+s9], $0x80, s3, s9, $0xb8;
	[tilespmem:$0x12F00] =	vst v63  }
0x5d: {  	_ =	swait.ge [sflag:s17], $0x100  }
0x5e: {  	[sflag:s17] =	ssyncset.done $0x0  }
0x5f: {  	[sflag:s17] =	ssyncadd.s32 $0xFFFFFF00  }
0x60: {  	[tilespmem:s8], [sflag:$0x5] =	stream.indirect.gather [hbm4b:s2+s9], $0x80, s14, s9, $0xb8;
	[tilespmem:$0x12F00] =	vst v63  }
0x61: {  	_ =	swait.ge [sflag:s15], $0x6400  }
0x62: {  	[sflag:s15] =	ssyncset.done $0x0  }
0x63: {  	s26 =	rddreg [dreg:$0x6];
	[sflag:s15] =	ssyncadd.s32 $0xFFFF9C00  }
0x64: {  	[hbm4b:s26+s3] =	stream.linear.scatter [tilespmem:s13], [sflag:$0x7], $0x6400, $0x38;
	[tilespmem:$0x12F00] =	vst v63  }
0x65: {  	s21 =	simm.s32 @!p0 $0x80;
	s25 =	rddreg [dreg:$0x7];
	s26 =	simm.s32 @!p0 $0x400  }
0x66: {  	[tilespmem:s22], [sflag:$0x1] =	stream.strided.gather @!p0 [hbm4b:s25+s21], $0x100, s26, s21, $0x38;
	[tilespmem:$0x12F00] =	vst v63  }
0x67: {  	_ =	swait.ge [sflag:s12], $0x100  }
0x68: {  	[sflag:s12] =	ssyncset.done $0x0  }
0x69: {  	s25 =	rddreg [dreg:$0xa];
	[sflag:s12] =	ssyncadd.s32 $0xFFFFFF00  }
0x6a: {  	[tilespmem:s25], [sflag:$0x6] =	stream.indirect.gather [hbm4b:s2+s9], $0x80, s7, s9, $0xb8;
	[tilespmem:$0x12F00] =	vst v63  }
0x6b: {  	_ =	swait.ge [sflag:s11], $0x6400  }
0x6c: {  	[sflag:s11] =	ssyncset.done $0x0  }
0x6d: {  	s26 =	rddreg [dreg:$0x8];
	[sflag:s11] =	ssyncadd.s32 $0xFFFF9C00  }
0x6e: {  	[hbm4b:s26+s3] =	stream.linear.scatter [tilespmem:s8], [sflag:$0x8], $0x6400, $0x38;
	[tilespmem:$0x12F00] =	vst v63  }
0x6f: {  	_ =	swait.ge [sflag:s10], $0x6400  }
0x70: {  	[sflag:s10] =	ssyncset.done $0x0  }
0x71: {  	[sflag:s10] =	ssyncadd.s32 $0xFFFF9C00  }
0x72: {  	_ =	swait.ge @p0 [sflag:s23], $0x6400  }
0x73: {  	[sflag:s23] =	ssyncset.done @p0 $0x0  }
0x74: {  	s21 =	simm.s32 @p0 $0x0;
	s25 =	simm.s32 @p0 $0xCB00;
	[sflag:s23] =	ssyncadd.s32 @p0 $0xFFFF9C00  }
0x75: {  	[hbm4b:s4+s21] =	stream.linear.scatter @p0 [tilespmem:s25], [sflag:$0x9], $0x6400, $0x38;
	[tilespmem:$0x12F00] =	vst v63  }
0x76: {  	_ =	swait.ge @!p0 [sflag:s24], $0x100  }
0x77: {  	[sflag:s24] =	ssyncset.done @!p0 $0x0  }
0x78: {  	[sflag:s24] =	ssyncadd.s32 @!p0 $0xFFFFFF00  }
0x79: {  	[tilespmem:s30], [sflag:$0x4] =	stream.indirect.gather @!p0 [hbm4b:s2+s29], $0x80, s22, s29, $0xb8;
	[tilespmem:$0x12F00] =	vst v63  }
0x7a: {  	_ =	swait.ge @!p0 [sflag:s28], $0x6400  }
0x7b: {  	[sflag:s28] =	ssyncset.done @!p0 $0x0  }
0x7c: {  	[sflag:s28] =	ssyncadd.s32 @!p0 $0xFFFF9C00  }
0x7d: {  	[hbm4b:s4+s22] =	stream.linear.scatter @!p0 [tilespmem:s31], [sflag:$0x9], $0x6400, $0x38;
	[tilespmem:$0x12F00] =	vst v63  }
0x7e: {  	_ =	swait.ge @!p0 [sflag:s0], $0x6400  }
0x7f: {  	[sflag:s0] =	ssyncset.done @!p0 $0x0  }
0x80: {  	s21 =	rddreg [dreg:$0x9];
	[sflag:s0] =	ssyncadd.s32 @!p0 $0xFFFF9C00  }
0x81: {  	[hbm4b:s21+s22] =	stream.linear.scatter @!p0 [tilespmem:s30], [sflag:$0x7], $0x6400, $0x38;
	[tilespmem:$0x12F00] =	vst v63  }
0x82: {  	_ =	swait.ge @!p0 [sflag:s1], $0x6400  }
0x83: {  	s20 =	sadd.s32 $0xFFFFFFFF, s20;
	[sflag:s1] =	ssyncset.done @!p0 $0x0  }
0x84: {  	p2 =	sne.s32 s20, $0x0;
	[sflag:s1] =	ssyncadd.s32 @!p0 $0xFFFF9C00  }
.Ltmp2:
0x85: {  	_ =	swait.ge [sflag:s6], $0x6400;
	(pc) =	sbr.rel @p2 .LBB2_3-.Ltmp2, $4  }
0x86: {  	[sflag:s6] =	ssyncset.done $0x0  }
0x87: {  	[sflag:s6] =	ssyncadd.s32 $0xFFFF9C00  }
0x88: {  	_ =	swait.ge [sflag:s5], $0x6400  }
0x89: {  	s21 =	rddreg [dreg:$0x3];
	[sflag:s5] =	ssyncset.done $0x0  }
0x8a: {  	s22 =	rddreg [dreg:$0x2];
	s23 =	stileid.u32  }
.LBB2_5:
0x8b: {  	[sflag:s5] =	ssyncadd.s32 @p1 $0xFFFF9C00  }
0x8c: {  	[tilespmem:s3], [sflag:$0x1] =	stream.strided.gather [hbm4b:s21+s16], $0x100, s18, s16, $0x38;
	[tilespmem:$0x12F00] =	vst v63  }
0x8d: {  	s0 =	rddreg [dreg:$0x4]  }
0x8e: {  	[tilespmem:s14], [sflag:$0x2] =	stream.strided.gather [hbm4b:s0+s16], $0x100, s18, s16, $0x38;
	[tilespmem:$0x12F00] =	vst v63  }
0x8f: {  	s1 =	rddreg [dreg:$0x5]  }
0x90: {  	[tilespmem:s7], [sflag:$0x3] =	stream.strided.gather [hbm4b:s1+s16], $0x100, s18, s16, $0x38;
	[tilespmem:$0x12F00] =	vst v63  }
0x91: {  	_ =	swait.ge [sflag:s19], $0x100  }
0x92: {  	[sflag:s19] =	ssyncset.done $0x0  }
0x93: {  	[sflag:s19] =	ssyncadd.s32 $0xFFFFFF00  }
0x94: {  	[tilespmem:s13], [sflag:$0x4] =	stream.indirect.gather [hbm4b:s2+s9], $0x80, s3, s9, $0xb8;
	[tilespmem:$0x12F00] =	vst v63  }
0x95: {  	_ =	swait.ge [sflag:s17], $0x100  }
0x96: {  	[sflag:s17] =	ssyncset.done $0x0  }
0x97: {  	[sflag:s17] =	ssyncadd.s32 $0xFFFFFF00  }
0x98: {  	[tilespmem:s8], [sflag:$0x5] =	stream.indirect.gather [hbm4b:s2+s9], $0x80, s14, s9, $0xb8;
	[tilespmem:$0x12F00] =	vst v63  }
0x99: {  	_ =	swait.ge [sflag:s15], $0x6400  }
0x9a: {  	[sflag:s15] =	ssyncset.done $0x0  }
0x9b: {  	s0 =	simm.s32 @!p0 $0x80;
	s29 =	rddreg [dreg:$0x6];
	[sflag:s15] =	ssyncadd.s32 $0xFFFF9C00  }
0x9c: {  	[hbm4b:s29+s3] =	stream.linear.scatter [tilespmem:s13], [sflag:$0x7], $0x6400, $0x38;
	[tilespmem:$0x12F00] =	vst v63  }
0x9d: {  	s14 =	simm.s32 @!p0 $0x0;
	s1 =	rddreg [dreg:$0x7];
	s13 =	simm.s32 @!p0 $0x400  }
0x9e: {  	[tilespmem:s14], [sflag:$0x1] =	stream.strided.gather @!p0 [hbm4b:s1+s0], $0x100, s13, s0, $0x38;
	[tilespmem:$0x12F00] =	vst v63  }
0x9f: {  	_ =	swait.ge [sflag:s12], $0x100  }
0xa0: {  	[sflag:s12] =	ssyncset.done $0x0  }
0xa1: {  	s30 =	rddreg [dreg:$0xa];
	[sflag:s12] =	ssyncadd.s32 $0xFFFFFF00  }
0xa2: {  	[tilespmem:s30], [sflag:$0x6] =	stream.indirect.gather [hbm4b:s2+s9], $0x80, s7, s9, $0xb8;
	[tilespmem:$0x12F00] =	vst v63  }
0xa3: {  	_ =	swait.ge [sflag:s11], $0x6400  }
0xa4: {  	[sflag:s11] =	ssyncset.done $0x0  }
0xa5: {  	s31 =	rddreg [dreg:$0x8];
	[sflag:s11] =	ssyncadd.s32 $0xFFFF9C00  }
0xa6: {  	[hbm4b:s31+s3] =	stream.linear.scatter [tilespmem:s8], [sflag:$0x8], $0x6400, $0x38;
	[tilespmem:$0x12F00] =	vst v63  }
0xa7: {  	_ =	swait.ge [sflag:s10], $0x6400  }
0xa8: {  	[sflag:s10] =	ssyncset.done $0x0  }
0xa9: {  	s0 =	simm.s32 @p0 $0x6;
	[sflag:s10] =	ssyncadd.s32 $0xFFFF9C00  }
0xaa: {  	_ =	swait.ge @p0 [sflag:s0], $0x6400  }
0xab: {  	s1 =	simm.s32 @!p0 $0x1;
	[sflag:s0] =	ssyncset.done @p0 $0x0  }
0xac: {  	s3 =	simm.s32 @p0 $0xCB00;
	[sflag:s0] =	ssyncadd.s32 @p0 $0xFFFF9C00;
	s0 =	simm.s32 @p0 $0x0  }
0xad: {  	[hbm4b:s4+s0] =	stream.linear.scatter @p0 [tilespmem:s3], [sflag:$0x9], $0x6400, $0x38;
	[tilespmem:$0x12F00] =	vst v63  }
0xae: {  	_ =	swait.ge @!p0 [sflag:s1], $0x100  }
0xaf: {  	s0 =	simm.s32 @!p0 $0x6;
	[sflag:s1] =	ssyncset.done @!p0 $0x0  }
0xb0: {  	s3 =	simm.s32 @!p0 $0x300;
	[sflag:s1] =	ssyncadd.s32 @!p0 $0xFFFFFF00;
	s1 =	simm.s32 @!p0 $0xC8  }
0xb1: {  	[tilespmem:s3], [sflag:$0x4] =	stream.indirect.gather @!p0 [hbm4b:s2+s1], $0x80, s14, s1, $0xb8;
	[tilespmem:$0x12F00] =	vst v63  }
0xb2: {  	_ =	swait.ge @!p0 [sflag:s0], $0x6400  }
0xb3: {  	[sflag:s0] =	ssyncset.done @!p0 $0x0  }
0xb4: {  	s1 =	simm.s32 @!p0 $0x4;
	[sflag:s0] =	ssyncadd.s32 @!p0 $0xFFFF9C00;
	s0 =	simm.s32 @!p0 $0xCB00  }
0xb5: {  	[hbm4b:s4+s14] =	stream.linear.scatter @!p0 [tilespmem:s0], [sflag:$0x9], $0x6400, $0x38;
	[tilespmem:$0x12F00] =	vst v63  }
0xb6: {  	_ =	swait.ge @!p0 [sflag:s1], $0x6400  }
0xb7: {  	[sflag:s1] =	ssyncset.done @!p0 $0x0  }
0xb8: {  	s0 =	rddreg [dreg:$0x9];
	[sflag:s1] =	ssyncadd.s32 @!p0 $0xFFFF9C00;
	s1 =	simm.s32 @!p0 $0x7  }
0xb9: {  	[hbm4b:s0+s14] =	stream.linear.scatter @!p0 [tilespmem:s3], [sflag:$0x7], $0x6400, $0x38;
	[tilespmem:$0x12F00] =	vst v63  }
0xba: {  	_ =	swait.ge @!p0 [sflag:s1], $0x6400  }
0xbb: {  	[sflag:s1] =	ssyncset.done @!p0 $0x0  }
0xbc: {  	[sflag:s1] =	ssyncadd.s32 @!p0 $0xFFFF9C00  }
0xbd: {  	_ =	swait.ge [sflag:s6], $0x6400  }
0xbe: {  	[sflag:s6] =	ssyncset.done $0x0  }
0xbf: {  	[sflag:s6] =	ssyncadd.s32 $0xFFFF9C00  }
0xc0: {  	_ =	swait.ge [sflag:s5], $0x6400  }
0xc1: {  	[sflag:s5] =	ssyncset.done $0x0  }
0xc2: {  	[sflag:s5] =	ssyncadd.s32 $0xFFFF9C00  }
0xc3: {  	_ =	sfence.sel $0x180000  }
0xc4: {  	[bflag:$0x0] =	sbarrier.arrive $0xFFFF  }
0xc5: {  	p0 =	sne.s32 s23, $0x0;
	_ =	strace $0x90000047  }
0xc6: {  	s0 =	sadd.s32 @!p0 $0x100000, s22;
	[bflag:$0x2] =	sbarrier.arrive $0xFFFF  }
0xc7: {  	[sflag:s0] =	ssyncadd.tile.s32 @!p0 $0x1;
	_ =	shalt  }
.LBB2_2:
.Ltmp3:
0xc8: {  	(pc) =	sbr.rel .LBB2_5-.Ltmp3, $2  }
0xc9: {  	_ =	sdelay $0x2  }
0xca: {  	s22 =	rddreg [dreg:$0x2];
	s23 =	stileid.u32  }
.Lfunc_end2:
_tile_overlayer_lowered:
.L_overlay_start_2:
0xcb: {  	(tag) =	ssettag $0x2  }
0xcc: {  	s0 =	rddreg [dreg:$0x0];
	s2 =	stileid.u32  }
0xcd: {  	s1 =	rddreg [dreg:$0x1];
	p0 =	sne.s32 s2, $0x0  }
0xce: {  	s3 =	rddreg [dreg:$0x2];
	[bflag:$0x3] =	sbarrier.arrive $0xFFFF;
	s2 =	simm.s32 @!p0 $0x1C0A  }
0xcf: {  	[timem:s3], [sflag:s2] =	dma.local @!p0 [hbm:s0], s1  }
0xd0: {  	s0 =	simm.s32 @!p0 $0xA  }
0xd1: {  	_ =	swait.ge @!p0 [sflag:s0], s1  }
0xd2: {  	s1 =	ssub.s32 @!p0 $0x0, s1;
	[sflag:s0] =	ssyncset.done @!p0 $0x0  }
0xd3: {  	[sflag:s0] =	ssyncadd.s32 @!p0 s1  }
0xd4: {  	[bflag:$0x3] =	sbarrier.arrive $0xFFFF  }
0xd5: {  	_ =	shalt  }

</sc_bundles>
